<compile_context>
chip_gen: v7x
topology: tpu7x:2x2x1
jax: 0.10.2.dev20260603
libtpu: 0.0.44.dev20260713+nightly
codegen_flags: <defaults>
</compile_context>

<pallas_src>
import functools

import jax
import jax.numpy as jnp
from jax import lax
from jax.experimental import pallas as pl
from jax.experimental.pallas import tpu as pltpu
from jax.experimental.pallas import tpu_sc as plsc

N_EXPERTS = 8
LANES = 16
N_WORKERS = 32
TOKEN_BLOCK = 4096


def _logits_body(x_ref, w_ref, out_ref):
    acc = lax.dot_general(
        w_ref[...], x_ref[...],
        dimension_numbers=(((1,), (1,)), ((), ())),
        preferred_element_type=jnp.float32,
    )
    i = lax.bitcast_convert_type(acc, jnp.int32)
    enc = i ^ ((i >> 31) & jnp.int32(0x7FFFFFFF))
    eid = (N_EXPERTS - 1) - lax.broadcasted_iota(jnp.int32, acc.shape, 0)
    out_ref[...] = (enc & jnp.int32(~7)) | eid


def _compute_logits_t(x, W):
    n_tokens, d = x.shape
    grid = (n_tokens // TOKEN_BLOCK,)
    return pl.pallas_call(
        _logits_body,
        grid=grid,
        in_specs=[
            pl.BlockSpec((TOKEN_BLOCK, d), lambda i: (i, 0)),
            pl.BlockSpec((N_EXPERTS, d), lambda i: (0, 0)),
        ],
        out_specs=pl.BlockSpec((N_EXPERTS, TOKEN_BLOCK), lambda i: (0, i)),
        out_shape=jax.ShapeDtypeStruct((N_EXPERTS, n_tokens), jnp.int32),
    )(x, W)


def _make_router(n_tokens):
    tpw = n_tokens // N_WORKERS
    mesh = plsc.VectorSubcoreMesh(core_axis_name="c", subcore_axis_name="s")

    @functools.partial(
        pl.kernel,
        out_type=[
            jax.ShapeDtypeStruct((2, n_tokens), jnp.float32),
            jax.ShapeDtypeStruct((2, n_tokens), jnp.int32),
        ],
        mesh=mesh,
        scratch_types=[
            pltpu.VMEM((N_EXPERTS, tpw), jnp.int32),
            pltpu.VMEM((2, tpw), jnp.float32),
            pltpu.VMEM((2, tpw), jnp.int32),
        ],
    )
    def route(lt_hbm, ow_hbm, oi_hbm, lbuf, wbuf, ibuf):
        wid = lax.axis_index("s") * 2 + lax.axis_index("c")
        base = wid * tpw
        pltpu.sync_copy(lt_hbm.at[:, pl.ds(base, tpw)], lbuf)

        def one_group(off):
            m1 = lbuf[0, pl.ds(off, LANES)]
            m2 = jnp.full((LANES,), jnp.iinfo(jnp.int32).min, jnp.int32)
            for e in range(1, N_EXPERTS):
                k = lbuf[e, pl.ds(off, LANES)]
                m2 = jnp.maximum(m2, jnp.minimum(m1, k))
                m1 = jnp.maximum(m1, k)
            seven = jnp.full((LANES,), 7, jnp.int32)
            sgn = jnp.full((LANES,), 0x7FFFFFFF, jnp.int32)
            l1 = lax.bitcast_convert_type(m1 ^ ((m1 >> 31) & sgn), jnp.float32)
            l2 = lax.bitcast_convert_type(m2 ^ ((m2 >> 31) & sgn), jnp.float32)
            dexp = jnp.exp(l2 - l1)
            w1 = 1.0 / (1.0 + dexp)
            wbuf[0, pl.ds(off, LANES)] = w1
            wbuf[1, pl.ds(off, LANES)] = dexp * w1
            ibuf[0, pl.ds(off, LANES)] = seven - (m1 & seven)
            ibuf[1, pl.ds(off, LANES)] = seven - (m2 & seven)
        def group(g, carry):
            one_group(g * LANES)
            return carry

        lax.fori_loop(0, tpw // LANES, group, 0)
        pltpu.sync_copy(wbuf, ow_hbm.at[:, pl.ds(base, tpw)])
        pltpu.sync_copy(ibuf, oi_hbm.at[:, pl.ds(base, tpw)])

    return route


def kernel(x, W):
    n_tokens = x.shape[0]
    logits_t = _compute_logits_t(x, W)
    wt, it = _make_router(n_tokens)(logits_t)
    return wt.T, it.T

# --- scband reference (transcript-rebuilt; emitter-appended) ---
"""Pipeline reference for scband-moe-router-9019431322100 (READ-ONLY COPY).

The authoritative reference and input builder live on the scoring server;
editing this copy changes nothing except your own understanding.
"""

import jax, jax.numpy as jnp
import numpy as np

TOP_K = 2

def setup_inputs(seed: int = 0) -> dict:
    key = jax.random.key(seed)
    k1, k2 = jax.random.split(key)
    x = jax.random.normal(k1, (32768, 768), dtype=jnp.float32)
    # nn.Linear(embed_dim=768, num_experts=8, bias=False) weight: [num_experts, embed_dim]
    W = jax.random.normal(k2, (8, 768), dtype=jnp.float32) * (1.0 / np.sqrt(768.0))
    return {"x": x, "W": W}

def reference(x, W):
    # logits = self.gate(x) -> x @ W.T
    logits = jnp.dot(x, W.T)
    probs = jax.nn.softmax(logits, axis=-1)
    top_k_weights, top_k_indices = jax.lax.top_k(probs, TOP_K)
    top_k_weights = top_k_weights / (jnp.sum(top_k_weights, axis=-1, keepdims=True) + 1e-9)
    return (top_k_weights, top_k_indices)

if __name__ == "__main__":
    import jax
    _d = setup_inputs()
    print(jax.jit(kernel)(*tuple(_d.values())))

</pallas_src>

<mosaic_0001>
#map = affine_map<(d0, d1) -> (0, 0)>
module attributes {stable_mosaic.version = 14 : i64} {
  func.func @route(%arg0: i32, %arg1: i32, %arg2: memref<8x32768xi32, #tpu.memory_space<hbm>>, %arg3: memref<2x32768xf32, #tpu.memory_space<hbm>>, %arg4: memref<2x32768xi32, #tpu.memory_space<hbm>>, %arg5: memref<8x1024xi32, #tpu.memory_space<vmem>>, %arg6: memref<2x1024xf32, #tpu.memory_space<vmem>>, %arg7: memref<2x1024xi32, #tpu.memory_space<vmem>>) attributes {dimension_semantics = [#tpu.dimension_semantics<core_parallel>, #tpu.dimension_semantics<subcore_parallel>], iteration_bounds = array<i64: 2, 16>, scalar_prefetch = 0 : i64, scratch_operands = 3 : i64, tpu.core_type = #tpu.core_type<sc_vector_subcore>, window_params = [{transform_indices = #map}, {transform_indices = #map}, {transform_indices = #map}]} {
    %mul3A = arith.constant 2 : i32
    %mul3A_0 = arith.muli %arg1, %mul3A : i32
    %add3A = arith.addi %mul3A_0, %arg0 : i32
    %mul3A_1 = arith.constant 1024 : i32
    %mul3A_2 = arith.muli %add3A, %mul3A_1 : i32
    "tpu.region"() ({
      %run_scoped3A = tpu.sem_alloc : memref<!tpu.dma_semaphore, #tpu.memory_space<semaphore_mem>>
      %dma_start3A = arith.constant 0 : i32
      %dma_start3A_8 = tpu.memref_slice %arg2[%dma_start3A, %mul3A_2] : memref<8x32768xi32, #tpu.memory_space<hbm>> -> memref<8x1024xi32, #tpu.memory_space<hbm>>
      %dma_start3A_9 = arith.constant 0 : i32
      %dma_start3A_10 = tpu.memref_slice %arg2[%dma_start3A_9, %mul3A_2] : memref<8x32768xi32, #tpu.memory_space<hbm>> -> memref<8x1024xi32, #tpu.memory_space<hbm>>
      tpu.enqueue_dma source(%dma_start3A_10 : memref<8x1024xi32, #tpu.memory_space<hbm>>) target(%arg5 : memref<8x1024xi32, #tpu.memory_space<vmem>>) target_semaphore(%run_scoped3A : memref<!tpu.dma_semaphore, #tpu.memory_space<semaphore_mem>>)
      %dma_wait3A = arith.constant 0 : i32
      %dma_wait3A_11 = tpu.memref_slice %arg2[%dma_wait3A, %mul3A_2] : memref<8x32768xi32, #tpu.memory_space<hbm>> -> memref<8x1024xi32, #tpu.memory_space<hbm>>
      %dma_wait3A_12 = arith.constant 0 : i32
      %dma_wait3A_13 = tpu.memref_slice %arg2[%dma_wait3A_12, %mul3A_2] : memref<8x32768xi32, #tpu.memory_space<hbm>> -> memref<8x1024xi32, #tpu.memory_space<hbm>>
      tpu.wait_dma2 semaphore(%run_scoped3A : memref<!tpu.dma_semaphore, #tpu.memory_space<semaphore_mem>>) src(%dma_wait3A_13 : memref<8x1024xi32, #tpu.memory_space<hbm>>) dst(%arg5 : memref<8x1024xi32, #tpu.memory_space<vmem>>)
      tpu.yield
    }) : () -> ()
    %scan3A = arith.constant 0 : i32
    %scan3A_3 = arith.constant 0 : i32
    %scan3A_4 = arith.constant 64 : i32
    %scan3A_5 = arith.addi %scan3A_3, %scan3A_4 : i32
    %scan3A_6 = arith.constant 1 : i32
    scf.for %scan3A_8 = %scan3A_3 to %scan3A_5 step %scan3A_6  : i32 {
      %mul3A_9 = arith.constant 16 : i32
      %mul3A_10 = arith.muli %scan3A_8, %mul3A_9 : i32
      %get3A = arith.constant 0 : i32
      %get3A_11 = arith.index_cast %get3A : i32 to index
      %get3A_12 = arith.index_cast %mul3A_10 : i32 to index
      %get3A_13 = tpu.vector_load %arg5[%get3A_11, %get3A_12] {strides = array<i32>} : memref<8x1024xi32, #tpu.memory_space<vmem>>, vector<1x16xi32>,
      %get3A_14 = vector.shape_cast %get3A_13 : vector<1x16xi32> to vector<16xi32>
      %broadcast_in_dim3A = arith.constant -2147483648 : i32
      %broadcast_in_dim3A_15 = vector.broadcast %broadcast_in_dim3A : i32 to vector<16xi32>
      %get3A_16 = arith.constant 1 : i32
      %get3A_17 = arith.index_cast %get3A_16 : i32 to index
      %get3A_18 = arith.index_cast %mul3A_10 : i32 to index
      %get3A_19 = tpu.vector_load %arg5[%get3A_17, %get3A_18] {strides = array<i32>} : memref<8x1024xi32, #tpu.memory_space<vmem>>, vector<1x16xi32>,
      %get3A_20 = vector.shape_cast %get3A_19 : vector<1x16xi32> to vector<16xi32>
      %min3A = arith.minsi %get3A_14, %get3A_20 : vector<16xi32>
      %max3A = arith.maxsi %broadcast_in_dim3A_15, %min3A : vector<16xi32>
      %max3A_21 = arith.maxsi %get3A_14, %get3A_20 : vector<16xi32>
      %get3A_22 = arith.constant 2 : i32
      %get3A_23 = arith.index_cast %get3A_22 : i32 to index
      %get3A_24 = arith.index_cast %mul3A_10 : i32 to index
      %get3A_25 = tpu.vector_load %arg5[%get3A_23, %get3A_24] {strides = array<i32>} : memref<8x1024xi32, #tpu.memory_space<vmem>>, vector<1x16xi32>,
      %get3A_26 = vector.shape_cast %get3A_25 : vector<1x16xi32> to vector<16xi32>
      %min3A_27 = arith.minsi %max3A_21, %get3A_26 : vector<16xi32>
      %max3A_28 = arith.maxsi %max3A, %min3A_27 : vector<16xi32>
      %max3A_29 = arith.maxsi %max3A_21, %get3A_26 : vector<16xi32>
      %get3A_30 = arith.constant 3 : i32
      %get3A_31 = arith.index_cast %get3A_30 : i32 to index
      %get3A_32 = arith.index_cast %mul3A_10 : i32 to index
      %get3A_33 = tpu.vector_load %arg5[%get3A_31, %get3A_32] {strides = array<i32>} : memref<8x1024xi32, #tpu.memory_space<vmem>>, vector<1x16xi32>,
      %get3A_34 = vector.shape_cast %get3A_33 : vector<1x16xi32> to vector<16xi32>
      %min3A_35 = arith.minsi %max3A_29, %get3A_34 : vector<16xi32>
      %max3A_36 = arith.maxsi %max3A_28, %min3A_35 : vector<16xi32>
      %max3A_37 = arith.maxsi %max3A_29, %get3A_34 : vector<16xi32>
      %get3A_38 = arith.constant 4 : i32
      %get3A_39 = arith.index_cast %get3A_38 : i32 to index
      %get3A_40 = arith.index_cast %mul3A_10 : i32 to index
      %get3A_41 = tpu.vector_load %arg5[%get3A_39, %get3A_40] {strides = array<i32>} : memref<8x1024xi32, #tpu.memory_space<vmem>>, vector<1x16xi32>,
      %get3A_42 = vector.shape_cast %get3A_41 : vector<1x16xi32> to vector<16xi32>
      %min3A_43 = arith.minsi %max3A_37, %get3A_42 : vector<16xi32>
      %max3A_44 = arith.maxsi %max3A_36, %min3A_43 : vector<16xi32>
      %max3A_45 = arith.maxsi %max3A_37, %get3A_42 : vector<16xi32>
      %get3A_46 = arith.constant 5 : i32
      %get3A_47 = arith.index_cast %get3A_46 : i32 to index
      %get3A_48 = arith.index_cast %mul3A_10 : i32 to index
      %get3A_49 = tpu.vector_load %arg5[%get3A_47, %get3A_48] {strides = array<i32>} : memref<8x1024xi32, #tpu.memory_space<vmem>>, vector<1x16xi32>,
      %get3A_50 = vector.shape_cast %get3A_49 : vector<1x16xi32> to vector<16xi32>
      %min3A_51 = arith.minsi %max3A_45, %get3A_50 : vector<16xi32>
      %max3A_52 = arith.maxsi %max3A_44, %min3A_51 : vector<16xi32>
      %max3A_53 = arith.maxsi %max3A_45, %get3A_50 : vector<16xi32>
      %get3A_54 = arith.constant 6 : i32
      %get3A_55 = arith.index_cast %get3A_54 : i32 to index
      %get3A_56 = arith.index_cast %mul3A_10 : i32 to index
      %get3A_57 = tpu.vector_load %arg5[%get3A_55, %get3A_56] {strides = array<i32>} : memref<8x1024xi32, #tpu.memory_space<vmem>>, vector<1x16xi32>,
      %get3A_58 = vector.shape_cast %get3A_57 : vector<1x16xi32> to vector<16xi32>
      %min3A_59 = arith.minsi %max3A_53, %get3A_58 : vector<16xi32>
      %max3A_60 = arith.maxsi %max3A_52, %min3A_59 : vector<16xi32>
      %max3A_61 = arith.maxsi %max3A_53, %get3A_58 : vector<16xi32>
      %get3A_62 = arith.constant 7 : i32
      %get3A_63 = arith.index_cast %get3A_62 : i32 to index
      %get3A_64 = arith.index_cast %mul3A_10 : i32 to index
      %get3A_65 = tpu.vector_load %arg5[%get3A_63, %get3A_64] {strides = array<i32>} : memref<8x1024xi32, #tpu.memory_space<vmem>>, vector<1x16xi32>,
      %get3A_66 = vector.shape_cast %get3A_65 : vector<1x16xi32> to vector<16xi32>
      %min3A_67 = arith.minsi %max3A_61, %get3A_66 : vector<16xi32>
      %max3A_68 = arith.maxsi %max3A_60, %min3A_67 : vector<16xi32>
      %max3A_69 = arith.maxsi %max3A_61, %get3A_66 : vector<16xi32>
      %broadcast_in_dim3A_70 = arith.constant 7 : i32
      %broadcast_in_dim3A_71 = vector.broadcast %broadcast_in_dim3A_70 : i32 to vector<16xi32>
      %broadcast_in_dim3A_72 = arith.constant 2147483647 : i32
      %broadcast_in_dim3A_73 = vector.broadcast %broadcast_in_dim3A_72 : i32 to vector<16xi32>
      %shift_right_arithmetic3A = arith.constant 31 : i32
      %shift_right_arithmetic3A_74 = vector.broadcast %shift_right_arithmetic3A : i32 to vector<16xi32>
      %shift_right_arithmetic3A_75 = arith.shrsi %max3A_69, %shift_right_arithmetic3A_74 : vector<16xi32>
      %and3A = arith.andi %shift_right_arithmetic3A_75, %broadcast_in_dim3A_73 : vector<16xi32>
      %xor3A = arith.xori %max3A_69, %and3A : vector<16xi32>
      %bitcast_convert_type3A = tpu.bitcast %xor3A : vector<16xi32> -> vector<16xf32>
      %shift_right_arithmetic3A_76 = arith.constant 31 : i32
      %shift_right_arithmetic3A_77 = vector.broadcast %shift_right_arithmetic3A_76 : i32 to vector<16xi32>
      %shift_right_arithmetic3A_78 = arith.shrsi %max3A_68, %shift_right_arithmetic3A_77 : vector<16xi32>
      %and3A_79 = arith.andi %shift_right_arithmetic3A_78, %broadcast_in_dim3A_73 : vector<16xi32>
      %xor3A_80 = arith.xori %max3A_68, %and3A_79 : vector<16xi32>
      %bitcast_convert_type3A_81 = tpu.bitcast %xor3A_80 : vector<16xi32> -> vector<16xf32>
      %sub3A = arith.subf %bitcast_convert_type3A_81, %bitcast_convert_type3A : vector<16xf32>
      %exp3A = math.exp %sub3A : vector<16xf32>
      %add3A_82 = arith.constant 1.000000e+00 : f32
      %add3A_83 = vector.broadcast %add3A_82 : f32 to vector<16xf32>
      %add3A_84 = arith.addf %add3A_83, %exp3A : vector<16xf32>
      %div3A = arith.constant 1.000000e+00 : f32
      %div3A_85 = vector.broadcast %div3A : f32 to vector<16xf32>
      %div3A_86 = arith.divf %div3A_85, %add3A_84 : vector<16xf32>
      %swap3A = arith.constant 0 : i32
      %swap3A_87 = arith.index_cast %swap3A : i32 to index
      %swap3A_88 = arith.index_cast %mul3A_10 : i32 to index
      %swap3A_89 = tpu.vector_load %arg6[%swap3A_87, %swap3A_88] {strides = array<i32>} : memref<2x1024xf32, #tpu.memory_space<vmem>>, vector<1x16xf32>,
      %swap3A_90 = vector.shape_cast %swap3A_89 : vector<1x16xf32> to vector<16xf32>
      %swap3A_91 = vector.shape_cast %div3A_86 : vector<16xf32> to vector<1x16xf32>
      tpu.vector_store %arg6[%swap3A_87, %swap3A_88], %swap3A_91 {strides = array<i32>} : memref<2x1024xf32, #tpu.memory_space<vmem>>, vector<1x16xf32>,
      %mul3A_92 = arith.mulf %exp3A, %div3A_86 : vector<16xf32>
      %swap3A_93 = arith.constant 1 : i32
      %swap3A_94 = arith.index_cast %swap3A_93 : i32 to index
      %swap3A_95 = arith.index_cast %mul3A_10 : i32 to index
      %swap3A_96 = tpu.vector_load %arg6[%swap3A_94, %swap3A_95] {strides = array<i32>} : memref<2x1024xf32, #tpu.memory_space<vmem>>, vector<1x16xf32>,
      %swap3A_97 = vector.shape_cast %swap3A_96 : vector<1x16xf32> to vector<16xf32>
      %swap3A_98 = vector.shape_cast %mul3A_92 : vector<16xf32> to vector<1x16xf32>
      tpu.vector_store %arg6[%swap3A_94, %swap3A_95], %swap3A_98 {strides = array<i32>} : memref<2x1024xf32, #tpu.memory_space<vmem>>, vector<1x16xf32>,
      %and3A_99 = arith.andi %max3A_69, %broadcast_in_dim3A_71 : vector<16xi32>
      %sub3A_100 = arith.subi %broadcast_in_dim3A_71, %and3A_99 : vector<16xi32>
      %swap3A_101 = arith.constant 0 : i32
      %swap3A_102 = arith.index_cast %swap3A_101 : i32 to index
      %swap3A_103 = arith.index_cast %mul3A_10 : i32 to index
      %swap3A_104 = tpu.vector_load %arg7[%swap3A_102, %swap3A_103] {strides = array<i32>} : memref<2x1024xi32, #tpu.memory_space<vmem>>, vector<1x16xi32>,
      %swap3A_105 = vector.shape_cast %swap3A_104 : vector<1x16xi32> to vector<16xi32>
      %swap3A_106 = vector.shape_cast %sub3A_100 : vector<16xi32> to vector<1x16xi32>
      tpu.vector_store %arg7[%swap3A_102, %swap3A_103], %swap3A_106 {strides = array<i32>} : memref<2x1024xi32, #tpu.memory_space<vmem>>, vector<1x16xi32>,
      %and3A_107 = arith.andi %max3A_68, %broadcast_in_dim3A_71 : vector<16xi32>
      %sub3A_108 = arith.subi %broadcast_in_dim3A_71, %and3A_107 : vector<16xi32>
      %swap3A_109 = arith.constant 1 : i32
      %swap3A_110 = arith.index_cast %swap3A_109 : i32 to index
      %swap3A_111 = arith.index_cast %mul3A_10 : i32 to index
      %swap3A_112 = tpu.vector_load %arg7[%swap3A_110, %swap3A_111] {strides = array<i32>} : memref<2x1024xi32, #tpu.memory_space<vmem>>, vector<1x16xi32>,
      %swap3A_113 = vector.shape_cast %swap3A_112 : vector<1x16xi32> to vector<16xi32>
      %swap3A_114 = vector.shape_cast %sub3A_108 : vector<16xi32> to vector<1x16xi32>
      tpu.vector_store %arg7[%swap3A_110, %swap3A_111], %swap3A_114 {strides = array<i32>} : memref<2x1024xi32, #tpu.memory_space<vmem>>, vector<1x16xi32>,
    }
    %scan3A_7 = arith.constant 64 : i32
    "tpu.region"() ({
      %run_scoped3A = tpu.sem_alloc : memref<!tpu.dma_semaphore, #tpu.memory_space<semaphore_mem>>
      %dma_start3A = arith.constant 0 : i32
      %dma_start3A_8 = tpu.memref_slice %arg3[%dma_start3A, %mul3A_2] : memref<2x32768xf32, #tpu.memory_space<hbm>> -> memref<2x1024xf32, #tpu.memory_space<hbm>>
      %dma_start3A_9 = arith.constant 0 : i32
      %dma_start3A_10 = tpu.memref_slice %arg3[%dma_start3A_9, %mul3A_2] : memref<2x32768xf32, #tpu.memory_space<hbm>> -> memref<2x1024xf32, #tpu.memory_space<hbm>>
      tpu.enqueue_dma source(%arg6 : memref<2x1024xf32, #tpu.memory_space<vmem>>) target(%dma_start3A_10 : memref<2x1024xf32, #tpu.memory_space<hbm>>) target_semaphore(%run_scoped3A : memref<!tpu.dma_semaphore, #tpu.memory_space<semaphore_mem>>)
      %dma_wait3A = arith.constant 0 : i32
      %dma_wait3A_11 = tpu.memref_slice %arg3[%dma_wait3A, %mul3A_2] : memref<2x32768xf32, #tpu.memory_space<hbm>> -> memref<2x1024xf32, #tpu.memory_space<hbm>>
      %dma_wait3A_12 = arith.constant 0 : i32
      %dma_wait3A_13 = tpu.memref_slice %arg3[%dma_wait3A_12, %mul3A_2] : memref<2x32768xf32, #tpu.memory_space<hbm>> -> memref<2x1024xf32, #tpu.memory_space<hbm>>
      tpu.wait_dma2 semaphore(%run_scoped3A : memref<!tpu.dma_semaphore, #tpu.memory_space<semaphore_mem>>) src(%arg6 : memref<2x1024xf32, #tpu.memory_space<vmem>>) dst(%dma_wait3A_13 : memref<2x1024xf32, #tpu.memory_space<hbm>>)
      tpu.yield
    }) : () -> ()
    "tpu.region"() ({
      %run_scoped3A = tpu.sem_alloc : memref<!tpu.dma_semaphore, #tpu.memory_space<semaphore_mem>>
      %dma_start3A = arith.constant 0 : i32
      %dma_start3A_8 = tpu.memref_slice %arg4[%dma_start3A, %mul3A_2] : memref<2x32768xi32, #tpu.memory_space<hbm>> -> memref<2x1024xi32, #tpu.memory_space<hbm>>
      %dma_start3A_9 = arith.constant 0 : i32
      %dma_start3A_10 = tpu.memref_slice %arg4[%dma_start3A_9, %mul3A_2] : memref<2x32768xi32, #tpu.memory_space<hbm>> -> memref<2x1024xi32, #tpu.memory_space<hbm>>
      tpu.enqueue_dma source(%arg7 : memref<2x1024xi32, #tpu.memory_space<vmem>>) target(%dma_start3A_10 : memref<2x1024xi32, #tpu.memory_space<hbm>>) target_semaphore(%run_scoped3A : memref<!tpu.dma_semaphore, #tpu.memory_space<semaphore_mem>>)
      %dma_wait3A = arith.constant 0 : i32
      %dma_wait3A_11 = tpu.memref_slice %arg4[%dma_wait3A, %mul3A_2] : memref<2x32768xi32, #tpu.memory_space<hbm>> -> memref<2x1024xi32, #tpu.memory_space<hbm>>
      %dma_wait3A_12 = arith.constant 0 : i32
      %dma_wait3A_13 = tpu.memref_slice %arg4[%dma_wait3A_12, %mul3A_2] : memref<2x32768xi32, #tpu.memory_space<hbm>> -> memref<2x1024xi32, #tpu.memory_space<hbm>>
      tpu.wait_dma2 semaphore(%run_scoped3A : memref<!tpu.dma_semaphore, #tpu.memory_space<semaphore_mem>>) src(%arg7 : memref<2x1024xi32, #tpu.memory_space<vmem>>) dst(%dma_wait3A_13 : memref<2x1024xi32, #tpu.memory_space<hbm>>)
      tpu.yield
    }) : () -> ()
    return
  }
}

module attributes {stable_mosaic.version = 14 : i64} {
  func.func @_logits_body(%arg0: i32, %arg1: memref<4096x768xf32, #tpu.memory_space<vmem>>, %arg2: memref<8x768xf32, #tpu.memory_space<vmem>>, %arg3: memref<8x4096xi32, #tpu.memory_space<vmem>>) attributes {dimension_semantics = [#tpu.dimension_semantics<arbitrary>], iteration_bounds = array<i64: 8>, scalar_prefetch = 0 : i64, scratch_operands = 0 : i64, tpu.core_type = #tpu.core_type<tc>, window_params = [{transform_indices = @transform_0, window_bounds = array<i64: 4096, 768>}, {pipeline_mode = #tpu.pipeline_mode<synchronous>, transform_indices = @transform_1, window_bounds = array<i64: 8, 768>}, {transform_indices = @transform_2, window_bounds = array<i64: 8, 4096>}]} {
    %get3A = arith.constant 0 : index
    %get3A_0 = arith.constant 0 : index
    %get3A_1 = vector.load %arg2[%get3A, %get3A_0] : memref<8x768xf32, #tpu.memory_space<vmem>>, vector<8x768xf32>
    %get3A_2 = arith.constant 0 : index
    %get3A_3 = arith.constant 0 : index
    %get3A_4 = vector.load %arg1[%get3A_2, %get3A_3] : memref<4096x768xf32, #tpu.memory_space<vmem>>, vector<4096x768xf32>
    %dot_general3A = arith.constant dense<0.000000e+00> : vector<8x4096xf32>
    %dot_general3A_5 = tpu.matmul %get3A_1, %get3A_4, %dot_general3A {dimension_numbers = #tpu.dot_dimension_numbers<[1], [1], [0], [0], [0, 0, 1, 0], [], []>, transpose_lhs_hint = false} : vector<8x768xf32>, vector<4096x768xf32>, vector<8x4096xf32> -> vector<8x4096xf32>
    %bitcast_convert_type3A = tpu.bitcast %dot_general3A_5 : vector<8x4096xf32> -> vector<8x4096xi32>
    %shift_right_arithmetic3A = arith.constant 31 : i32
    %shift_right_arithmetic3A_6 = vector.broadcast %shift_right_arithmetic3A : i32 to vector<8x4096xi32>
    %shift_right_arithmetic3A_7 = arith.shrsi %bitcast_convert_type3A, %shift_right_arithmetic3A_6 : vector<8x4096xi32>
    %and3A = arith.constant 2147483647 : i32
    %and3A_8 = vector.broadcast %and3A : i32 to vector<8x4096xi32>
    %and3A_9 = arith.andi %shift_right_arithmetic3A_7, %and3A_8 : vector<8x4096xi32>
    %xor3A = arith.xori %bitcast_convert_type3A, %and3A_9 : vector<8x4096xi32>
    %iota3A = tpu.iota {dimensions = array<i32: 0>} : vector<8x4096xi32>
    %sub3A = arith.constant 7 : i32
    %sub3A_10 = vector.broadcast %sub3A : i32 to vector<8x4096xi32>
    %sub3A_11 = arith.subi %sub3A_10, %iota3A : vector<8x4096xi32>
    %and3A_12 = arith.constant -8 : i32
    %and3A_13 = vector.broadcast %and3A_12 : i32 to vector<8x4096xi32>
    %and3A_14 = arith.andi %xor3A, %and3A_13 : vector<8x4096xi32>
    %or3A = arith.ori %and3A_14, %sub3A_11 : vector<8x4096xi32>
    %swap3A = arith.constant 0 : index
    %swap3A_15 = arith.constant 0 : index
    %swap3A_16 = vector.load %arg3[%swap3A, %swap3A_15] : memref<8x4096xi32, #tpu.memory_space<vmem>>, vector<8x4096xi32>
    tpu.vector_store %arg3[%swap3A, %swap3A_15], %or3A {strides = array<i32>} : memref<8x4096xi32, #tpu.memory_space<vmem>>, vector<8x4096xi32>,
    return
  }
  func.func @transform_0(%arg0: i32) -> (i32, i32) {
    %c0_i32 = arith.constant 0 : i32
    %c0_i32_0 = arith.constant 0 : i32
    return %arg0, %c0_i32 : i32, i32
  }
  func.func @transform_1(%arg0: i32) -> (i32, i32) {
    %c0_i32 = arith.constant 0 : i32
    %c0_i32_0 = arith.constant 0 : i32
    %c0_i32_1 = arith.constant 0 : i32
    return %c0_i32, %c0_i32_0 : i32, i32
  }
  func.func @transform_2(%arg0: i32) -> (i32, i32) {
    %c0_i32 = arith.constant 0 : i32
    %c0_i32_0 = arith.constant 0 : i32
    return %c0_i32, %arg0 : i32, i32
  }
}

</mosaic_0001>

<sc_bundles>
// kernel: kernel.4.cloned.1.call-start
scs
__scs_entry_jumppad:
0x0: {  	(pc) =	sbr.rel $0x88, $3  }
0x1: {  	(tag) =	ssettag $0x0;
	lr =	simm.s32 $0x1  }
0x2: {  	[smem:$0x3F9F] =	sst lr;
	_ =	strace $0xD0000000  }
0x3: {  	_ = 	snop  }
0x4: {  	_ = 	snop  }
0x5: {  	_ = 	snop  }
0x6: {  	_ = 	snop  }
0x7: {  	_ = 	snop  }
__scs_overlays_trampoline_lowered:
0x8: {  	[smem:$0x3FAE] =	sst s0  }
0x9: {  	[smem:$0x3FAF] =	sst s1  }
0xa: {  	[smem:$0x3FB0] =	sst s2  }
0xb: {  	[smem:$0x3FB1] =	sst s3  }
0xc: {  	[smem:$0x3FB2] =	sst s4  }
0xd: {  	[smem:$0x3FB3] =	sst s5  }
0xe: {  	[smem:$0x3FB4] =	sst s6  }
0xf: {  	[smem:$0x3FB5] =	sst s7  }
0x10: {  	[smem:$0x3FB6] =	sst s8  }
0x11: {  	[smem:$0x3FB7] =	sst s9;
	s0 =	simm.s32 @!p0 $0x0  }
0x12: {  	s1 =	sld [smem:$0x3F9D];
	s0 =	simm.s32 @p0 $0x1  }
0x13: {  	[smem:$0x3FB8] =	sst s0;
	s0 =	simm.s32 @!p1 $0x0  }
0x14: {  	s2 =	sld [smem:$0x3F9C];
	s0 =	simm.s32 @p1 $0x1  }
0x15: {  	[smem:$0x3FB9] =	sst s0;
	s0 =	simm.s32 @!p2 $0x0  }
0x16: {  	s3 =	sld [smem:$0x3FDB];
	s0 =	simm.s32 @p2 $0x1  }
0x17: {  	s4 =	simm.s32 $0x1BF5;
	[smem:$0x3FBB] =	sst s0  }
0x18: {  	s0 =	sld [smem:$0x3F9E];
	_ =	swait.ge [sflag:s4], $0x0  }
0x19: {  	s7 =	sld [smem:$0x3F9F]  }
0x1a: {  	s8 =	sadd.s32 $0xFFFFE003, lr  }
0x1b: {  	s9 =	sadd.s32 $0xFFFFFEF7, lr;
	s5 =	simm.s32 $0xFFFFFFFF;
	p2 =	slt.u32 s8, $0xFFFFF086  }
0x1c: {  	p1 =	slt.u32 s9, $0xF7A;
	s5 =	simm.s32 @!p2 $0x0  }
0x1d: {  	s5 =	simm.s32 @p1 $0x1;
	p0 =	seq.s32 s7, s2  }
0x1e: {  	s7 =	smul.u32 @!p0 $0xF7A, s2;
	p2 =	seq.s32 @!p0 s5, $0x0  }
0x1f: {  	s9 =	smul.u32 $0xF7A, s1;
	s8 =	simm.s32 @!p0 $0x1BF5;
	p2 =	por !p2, p0  }
0x20: {  	[sflag:s8] =	ssyncset.s32 @!p0 $0xFFFFF086;
	s6 =	sadd.s32 @!p0 s3, s7;
	s7 =	simm.s32 @!p0 $0x108  }
0x21: {  	s3 =	sadd.s32 s3, s9;
	s6 =	sadd.s32 @!p0 $0x88, s6;
	s7 =	simm.s32 @p2 $0x1082  }
0x22: {  	[simem:s7], [sflag:s8] =	dma.local @!p0 [hbm:s6], $0xF7A  }
0x23: {  	s9 =	sor.u32 $0xD0000000, s2;
	s6 =	simm.s32 $0x108;
	_ =	swait.ge @!p0 [sflag:s8], $0x0  }
0x24: {  	s3 =	sadd.s32 $0x88, s3;
	s6 =	simm.s32 @!p1 $0x1082;
	[sflag:s4] =	ssyncset.s32 $0xFFFFF086  }
0x25: {  	[simem:s6], [sflag:s4] =	dma.local [hbm:s3], $0xF7A  }
0x26: {  	[smem:$0x3F9F] =	sst s1;
	(tag) =	ssettag s2;
	_ =	strace s9  }
0x27: {  	s1 =	sld [smem:$0x3FAF]  }
0x28: {  	s2 =	sld [smem:$0x3FB0]  }
0x29: {  	s4 =	sld [smem:$0x3FB2]  }
0x2a: {  	p0 =	seq.s32 s5, $0x0;
	s5 =	sld [smem:$0x3FB3]  }
0x2b: {  	s6 =	sld [smem:$0x3FB4]  }
0x2c: {  	s7 =	sld [smem:$0x3FB5]  }
0x2d: {  	s3 =	simm.s32 $0x108;
	s8 =	sld [smem:$0x3FB6]  }
0x2e: {  	s3 =	simm.s32 @!p0 $0x1082;
	s9 =	sld [smem:$0x3FB7]  }
0x2f: {  	lr =	sadd.s32 s0, s3;
	s0 =	sld [smem:$0x3FAE]  }
0x30: {  	s3 =	sld [smem:$0x3FB1]  }
0x31: {  	[smem:$0x3FBA] =	sst s10  }
0x32: {  	s10 =	sld [smem:$0x3FB8];
	_ =	sdelay $0x3  }
0x33: {  	p0 =	seq.s32 s10, $0x1;
	s10 =	sld [smem:$0x3FBA];
	_ =	sdelay $0x3  }
0x34: {  	[smem:$0x3FBA] =	sst s10  }
0x35: {  	s10 =	sld [smem:$0x3FB9];
	_ =	sdelay $0x3  }
0x36: {  	p1 =	seq.s32 s10, $0x1;
	s10 =	sld [smem:$0x3FBA];
	_ =	sdelay $0x3  }
0x37: {  	[smem:$0x3FBA] =	sst s10  }
0x38: {  	s10 =	sld [smem:$0x3FBB]  }
0x39: {  	_ = 	snop;
	(pc) =	sbr.ind lr, $3  }
0x3a: {  	_ = 	snop  }
0x3b: {  	_ = 	snop  }
0x3c: {  	p2 =	seq.s32 s10, $0x1;
	s10 =	sld [smem:$0x3FBA]  }
0x3d: {  	_ =	shalt  }
0x3e: {  	_ =	shalt  }
0x3f: {  	_ =	shalt  }
0x40: {  	_ =	shalt  }
0x41: {  	_ =	shalt  }
0x42: {  	_ =	shalt  }
0x43: {  	_ =	shalt  }
0x44: {  	_ =	shalt  }
0x45: {  	_ =	shalt  }
0x46: {  	_ =	shalt  }
0x47: {  	_ =	shalt  }
0x48: {  	_ =	shalt  }
0x49: {  	_ =	shalt  }
0x4a: {  	_ =	shalt  }
0x4b: {  	_ =	shalt  }
0x4c: {  	_ =	shalt  }
0x4d: {  	_ =	shalt  }
0x4e: {  	_ =	shalt  }
0x4f: {  	_ =	shalt  }
0x50: {  	_ =	shalt  }
0x51: {  	_ =	shalt  }
0x52: {  	_ =	shalt  }
0x53: {  	_ =	shalt  }
0x54: {  	_ =	shalt  }
0x55: {  	_ =	shalt  }
0x56: {  	_ =	shalt  }
0x57: {  	_ =	shalt  }
0x58: {  	_ =	shalt  }
0x59: {  	_ =	shalt  }
0x5a: {  	_ =	shalt  }
0x5b: {  	_ =	shalt  }
0x5c: {  	_ =	shalt  }
0x5d: {  	_ =	shalt  }
0x5e: {  	_ =	shalt  }
0x5f: {  	_ =	shalt  }
0x60: {  	_ =	shalt  }
0x61: {  	_ =	shalt  }
0x62: {  	_ =	shalt  }
0x63: {  	_ =	shalt  }
0x64: {  	_ =	shalt  }
0x65: {  	_ =	shalt  }
0x66: {  	_ =	shalt  }
0x67: {  	_ =	shalt  }
0x68: {  	_ =	shalt  }
0x69: {  	_ =	shalt  }
0x6a: {  	_ =	shalt  }
0x6b: {  	_ =	shalt  }
0x6c: {  	_ =	shalt  }
0x6d: {  	_ =	shalt  }
0x6e: {  	_ =	shalt  }
0x6f: {  	_ =	shalt  }
0x70: {  	_ =	shalt  }
0x71: {  	_ =	shalt  }
0x72: {  	_ =	shalt  }
0x73: {  	_ =	shalt  }
0x74: {  	_ =	shalt  }
0x75: {  	_ =	shalt  }
0x76: {  	_ =	shalt  }
0x77: {  	_ =	shalt  }
0x78: {  	_ =	shalt  }
0x79: {  	_ =	shalt  }
0x7a: {  	_ =	shalt  }
0x7b: {  	_ =	shalt  }
0x7c: {  	_ =	shalt  }
0x7d: {  	_ =	shalt  }
0x7e: {  	_ =	shalt  }
0x7f: {  	_ =	shalt  }
0x80: {  	_ =	shalt  }
0x81: {  	_ =	shalt  }
0x82: {  	_ =	shalt  }
0x83: {  	_ =	shalt  }
0x84: {  	_ =	shalt  }
0x85: {  	_ =	shalt  }
0x86: {  	_ =	shalt  }
0x87: {  	_ =	shalt  }
.Lfunc_end0:
.L_simem_size_0:
called_computation_lowered:
.L_overlay_start_0:
0x88: {  	s2 =	sld [smem:$0x3FD9]  }
0x89: {  	s3 =	sld [smem:$0x3FFE];
	_ =	sdelay $0x1  }
0x8a: {  	s1 =	srdreg.scid  }
0x8b: {  	s0 =	sand.u32 $0x1, s1  }
0x8c: {  	s14 =	sshll.u32 s0, $0xA;
	s2 =	sadd.s32 s3, s2  }
0x8d: {  	s2 =	sadd.s32 s2, s14  }
0x8e: {  	[smem:$0x3FC6] =	sst s2  }
0x8f: {  	_ = 	snop  }
0x90: {  	s2 =	sld [smem:$0x3FD0];
	_ =	sdelay $0x2  }
0x91: {  	s15 =	simm.s32 $0xA;
	s4 =	simm.s32 $0x10  }
0x92: {  	[smem:s4], [sflag:s15] =	dma.local [hbm:s2], $0x1  }
0x93: {  	_ =	swait.eq [sflag:s15], $0x1  }
0x94: {  	[sflag:s15] =	ssyncset.done $0x0  }
0x95: {  	s16 =	sld [smem:$0x10];
	[sflag:s15] =	ssyncadd.s32 $0xFFFFFFFF  }
0x96: {  	s17 =	sld [smem:$0x11];
	(tm) =	ssettm $0x1  }
0x97: {  	s18 =	sld [smem:$0x3FFB];
	_ =	sdelay $0x3  }
0x98: {  	_ =	strace s18  }
0x99: {  	s4 =	sld [smem:$0x3FFC];
	_ =	sdelay $0x3  }
0x9a: {  	_ =	strace s4  }
0x9b: {  	s4 =	sld [smem:$0x3FFD];
	_ =	sdelay $0x3  }
0x9c: {  	_ =	strace s4  }
0x9d: {  	_ =	strace $0x8FFFFFFF  }
0x9e: {  	s19 =	sld [smem:$0x3FDB];
	_ =	sdelay $0x1  }
0x9f: {  	s5 =	simm.s32 $_scs_section_size  }
0xa0: {  	s6 =	simm.s32 $_size__tile_overlayer_lowered;
	s7 =	simm.s32 $_tile_overlayer_lowered  }
0xa1: {  	s22 =	simm.s32 $0x1BFF;
	s21 =	sshll.u32 s7, $0x1;
	s4 =	sadd.s32 s5, s19  }
0xa2: {  	s8 =	simm.s32 $0x0;
	s20 =	sshll.u32 s6, $0x1;
	s6 =	sadd.s32 s21, s4  }
0xa3: {  	[timem:s8], [sflag:s22] =	dma.local [hbm:s6], s20  }
0xa4: {  	_ =	swait.ge [sflag:s22], s20  }
0xa5: {  	s5 =	ssub.s32 $0x0, s20;
	[sflag:s22] =	ssyncset.done $0x0  }
0xa6: {  	[sflag:s22] =	ssyncadd.s32 s5;
	_ =	sdelay $0x1  }
0xa7: {  	s23 =	simm.s32 $0x1B8B  }
0xa8: {  	_ =	swait.ge [sflag:s23], $0x1  }
0xa9: {  	[sflag:s23] =	ssyncset.done $0x0  }
0xaa: {  	s25 =	simm.s32 $0x1B8E;
	s24 =	sld [smem:$0x3FFE];
	[sflag:s23] =	ssyncadd.s32 $0xFFFFFFFF  }
0xab: {  	s26 =	simm.s32 $execute0_lowered;
	[smem:$0x3FD2] =	sst s25  }
0xac: {  	s6 =	sshll.u32 s26, $0x1;
	_ =	strace $0x80000046;
	[dreg:$0x1] =	wrdreg $0xFFFFFFFF  }
0xad: {  	s28 =	simm.s32 $_size_execute0_lowered;
	s4 =	sadd.s32 s4, s6;
	[dreg:$0x0] =	wrdreg $0x0  }
0xae: {  	s6 =	sshll.u32 s28, $0x1;
	[dreg:$0x2] =	wrdreg s4  }
0xaf: {  	[dreg:$0x3] =	wrdreg s6  }
0xb0: {  	[dreg:$0x4] =	wrdreg $0xC0  }
0xb1: {  	_ =	task [dreg:s8], $0x5FFFF  }
0xb2: {  	[dreg:$0x1] =	wrdreg $0xFFFFFFFF  }
0xb3: {  	[dreg:$0x0] =	wrdreg $0x60  }
0xb4: {  	[dreg:$0x2] =	wrdreg s24  }
0xb5: {  	[dreg:$0x3] =	wrdreg s16  }
0xb6: {  	[dreg:$0x4] =	wrdreg s17  }
0xb7: {  	[dreg:$0x5] =	wrdreg $0x9  }
0xb8: {  	_ =	task.clear_ibuf [dreg:s8], $0x6FFFF;
	_ =	strace $0x90000046  }
0xb9: {  	s29 =	simm.s32 $0x9;
	_ =	strace $0x80000048  }
0xba: {  	_ =	swait.ge [sflag:s29], $0x1  }
0xbb: {  	[sflag:s29] =	ssyncadd.s32 $0xFFFFFFFF  }
0xbc: {  	_ =	strace $0x90000048  }
0xbd: {  	_ =	sfence  }
0xbe: {  	s30 =	sld [smem:$0x0];
	_ =	sdelay $0x2  }
0xbf: {  	s31 =	sshll.u32 s1, $0xD;
	s1 =	sshrl.u32 s1, $0x2  }
0xc0: {  	s3 =	sand.u32 $0x4000, s31;
	s1 =	sadd.s32 s1, s30  }
0xc1: {  	s0 =	sor.u32 s3, s0;
	s1 =	sshll.u32 s1, $0x11  }
0xc2: {  	s0 =	sor.u32 s1, s0  }
0xc3: {  	s0 =	sadd.s32 $0x8F2B, s0  }
0xc4: {  	[sflag:s0] =	ssyncadd.remote.s32 $0x1  }
0xc5: {  	_ =	sfence.sel $0xFFFF  }
0xc6: {  	[dreg:$0x0] =	wrdreg $0xFFFFFFFF;
	(pc) =	sbr.abs _section_cstart, $3  }
0xc7: {  	[dreg:$0x1] =	wrdreg $0xFFFFFFFF  }
0xc8: {  	_ =	task.clear_ibuf [dreg:s8], $0x2FFFF;
	_ =	strace $0x9FFFFFFF  }
0xc9: {  	(tm) =	ssettm $0x7FFFFFFF  }
tec
execute0_lowered:
.L_overlay_start_1:
0x0: {  	(tag) =	ssettag $0x1  }
0x1: {  	s3 =	rddreg [dreg:$0x0]  }
0x2: {  	s4 =	rddreg [dreg:$0x1]  }
0x3: {  	s5 =	rddreg [dreg:$0x2]  }
0x4: {  	s0 =	rddreg [dreg:$0x3];
	s6 =	srdreg.scid  }
0x5: {  	s2 =	simm.s32 $0x0;
	s1 =	stileid.u32;
	s9 =	simm.s32 $0x2800  }
0x6: {  	s10 =	simm.s32 $0x0;
	s6 =	sand.u32 $0x1, s6;
	[smem:$0x7FF] =	sst s2  }
0x7: {  	s7 =	sshll.u32 s1, $0xB;
	s8 =	sshll.u32 s6, $0xA;
	s6 =	ssub.s32 $0x2, s6  }
0x8: {  	_ =	strace $0x80000047;
	s7 =	sor.u32 s8, s7;
	s31 =	sshrl.u32 s6, $0x1  }
0x9: {  	s8 =	simm.s32 $0x2000;
	s3 =	sadd.s32 s7, s3;
	s7 =	sshrl.u32 s7, $0x2  }
0xa: {  	s6 =	ssub.s32 s6, s31;
	s3 =	sadd.s32 $0xC00, s3;
	s4 =	sadd.s32 s4, s7  }
0xb: {  	s5 =	sadd.s32 s5, s7;
	s6 =	smax.u32 s6, $0x1;
	s7 =	simm.s32 $0x1  }
.LBB2_1:
0xc: {  	[tilespmem:s2], [sflag:$0x1] =	stream.linear.gather [hbm4b:s3+s2], $0x2000, $0x38;
	[tilespmem:$0x3000] =	vst v63  }
0xd: {  	s11 =	simm.s32 $0x0;
	_ =	swait.ge [sflag:s7], $0x2000  }
0xe: {  	s12 =	sand.u32 $0x70, s2;
	s11 =	sand.u32 $0x3FFFFC00, s11;
	[sflag:s7] =	ssyncset.done $0x0  }
0xf: {  	s11 =	sor.u32 s12, s11;
	[sflag:s7] =	ssyncadd.s32 $0xFFFFE000  }
0x10: {  	v0 =	vld [tilespmem:s11+$0x0]  }
0x11: {  	v1 =	vld [tilespmem:s11+$0x80];
	_ =	sdelay $0x1  }
0x12: {  	v2 =	vld [tilespmem:s11+$0x100];
	_ =	sdelay $0x1  }
0x13: {  	v3 =	vld [tilespmem:s11+$0x180]  }
0x14: {  	vm0 =	vgt.s32 v0, v1  }
0x15: {  	v4 =	vld [tilespmem:s11+$0x200];
	v5 =	vsel vm0, v0, v1  }
0x16: {  	vm1 =	vgt.s32 v5, v2  }
0x17: {  	v0 =	vsel vm0, v1, v0;
	v1 =	vld [tilespmem:s11+$0x280];
	v6 =	vsel vm1, v2, v5;
	v2 =	vsel vm1, v5, v2  }
0x18: {  	vm0 =	vgt.s32 v0, v6;
	vm1 =	vgt.s32 v2, v3  }
0x19: {  	v61 =	vld [tilespmem:s11+$0x300];
	v0 =	vsel vm0, v0, v6;
	v62 =	vsel vm1, v3, v2;
	v2 =	vsel vm1, v2, v3  }
0x1a: {  	vm0 =	vgt.s32 v0, v62;
	vm1 =	vgt.s32 v2, v4  }
0x1b: {  	v3 =	vld [tilespmem:s11+$0x380];
	v0 =	vsel vm0, v0, v62;
	v63 =	vsel vm1, v4, v2;
	v2 =	vsel vm1, v2, v4  }
0x1c: {  	vm0 =	vgt.s32 v0, v63;
	vm1 =	vgt.s32 v2, v1  }
0x1d: {  	v0 =	vsel vm0, v0, v63;
	v4 =	vsel vm1, v1, v2;
	v1 =	vsel vm1, v2, v1  }
0x1e: {  	vm0 =	vgt.s32 v0, v4;
	vm1 =	vgt.s32 v1, v61  }
0x1f: {  	v0 =	vsel vm0, v0, v4;
	v2 =	vsel vm1, v61, v1;
	v1 =	vsel vm1, v1, v61  }
0x20: {  	vm0 =	vgt.s32 v0, v2;
	vm1 =	vgt.s32 v1, v3  }
0x21: {  	v0 =	vsel vm0, v0, v2;
	v2 =	vsel vm1, v3, v1  }
0x22: {  	vm0 =	vgt.s32 v0, v2  }
0x23: {  	v1 =	vsel vm1, v1, v3;
	v0 =	vsel vm0, v0, v2  }
0x24: {  	v2 =	vshra.s32 v1, $0x1F;
	v3 =	vshra.s32 v0, $0x1F  }
0x25: {  	v2 =	vand.u32 $0x7FFFFFFF, v2;
	v3 =	vand.u32 $0x7FFFFFFF, v3  }
0x26: {  	v2 =	vxor.u32 v1, v2;
	v3 =	vxor.u32 v0, v3  }
0x27: {  	v2 =	vsub.f32 v3, v2;
	_ =	sdelay $0x1  }
0x28: {  	v2 =	vmul.f32 $1.442695020e+00, v2;
	_ =	sdelay $0x1  }
0x29: {  	(erf) = vpow2.f32 v2;
	_ =	sdelay $0x8  }
0x2a: {  	v2 =	vpop (erf)  }
0x2b: {  	v3 =	vadd.f32 $1.000000000e+00, v2;
	_ =	sdelay $0x1  }
0x2c: {  	(erf) = vrcp.f32 v3;
	_ =	sdelay $0x4  }
0x2d: {  	s30 =	simm.s32 $0x0  }
0x2e: {  	s11 =	sand.u32 $0xFFFFFF00, s30;
	v0 =	vandn.u32 $0x7, v0  }
0x2f: {  	s15 =	sor.u32 s12, s11;
	v1 =	vandn.u32 $0x7, v1  }
0x30: {  	[tilespmem:s15+$0x2800] =	vst v1  }
0x31: {  	s31 =	simm.s32 $0x10;
	s18 =	simm.s32 $0x2;
	s17 =	simm.s32 $0x80;
	[tilespmem:s15+$0x2880] =	vst v0;
	v0 =	vpop (erf)  }
0x32: {  	s13 =	simm.s32 $0x20;
	s12 =	simm.s32 $0x1;
	s11 =	sand.u32 $0x70, s31;
	[tilespmem:s15+$0x2000] =	vst v0;
	v0 =	vmul.f32 v0, v2  }
.LBB2_2:
0x33: {  	s16 =	sand.u32 $0x70, s13  }
0x34: {  	s17 =	sand.u32 $0x3FFFFC00, s17;
	s19 =	smov.u32 s18;
	s14 =	sadd.s32 $0x1, s18  }
0x35: {  	p0 =	sne.s32 s18, $0x3F;
	s17 =	sor.u32 s11, s17;
	[tilespmem:s15+$0x2080] =	vst v0  }
0x36: {  	v0 =	vld [tilespmem:s17+$0x0]  }
0x37: {  	v1 =	vld [tilespmem:s17+$0x80]  }
0x38: {  	v2 =	vld [tilespmem:s17+$0x100];
	_ =	sdelay $0x1  }
0x39: {  	v3 =	vld [tilespmem:s17+$0x180];
	_ =	sdelay $0x1  }
0x3a: {  	vm0 =	vgt.s32 v0, v1;
	v4 =	vld [tilespmem:s17+$0x200]  }
0x3b: {  	v5 =	vsel vm0, v1, v0;
	v0 =	vsel vm0, v0, v1  }
0x3c: {  	vm0 =	vgt.s32 v0, v2;
	v1 =	vld [tilespmem:s17+$0x280]  }
0x3d: {  	v6 =	vsel vm0, v2, v0;
	v0 =	vsel vm0, v0, v2  }
0x3e: {  	vm0 =	vgt.s32 v5, v6;
	vm1 =	vgt.s32 v0, v3;
	v2 =	vld [tilespmem:s17+$0x300]  }
0x3f: {  	v5 =	vsel vm0, v5, v6;
	v6 =	vsel vm1, v3, v0;
	v0 =	vsel vm1, v0, v3  }
0x40: {  	vm0 =	vgt.s32 v5, v6;
	vm1 =	vgt.s32 v0, v4;
	v3 =	vld [tilespmem:s17+$0x380]  }
0x41: {  	v5 =	vsel vm0, v5, v6;
	v6 =	vsel vm1, v4, v0;
	v0 =	vsel vm1, v0, v4  }
0x42: {  	vm0 =	vgt.s32 v5, v6;
	vm1 =	vgt.s32 v0, v1  }
0x43: {  	v4 =	vsel vm0, v5, v6;
	v5 =	vsel vm1, v1, v0;
	v0 =	vsel vm1, v0, v1  }
0x44: {  	vm0 =	vgt.s32 v4, v5;
	vm1 =	vgt.s32 v0, v2  }
0x45: {  	v1 =	vsel vm0, v4, v5;
	v4 =	vsel vm1, v2, v0;
	v0 =	vsel vm1, v0, v2  }
0x46: {  	s15 =	sshll.u32 s12, $0x5;
	s12 =	smov.u32 s19;
	vm0 =	vgt.s32 v1, v4;
	vm1 =	vgt.s32 v0, v3  }
0x47: {  	s15 =	sand.u32 $0xFFFFFF00, s15;
	v1 =	vsel vm0, v1, v4;
	v2 =	vsel vm1, v3, v0;
	v0 =	vsel vm1, v0, v3  }
0x48: {  	s15 =	sor.u32 s11, s15;
	s11 =	smov.u32 s16;
	vm0 =	vgt.s32 v1, v2;
	v3 =	vshra.s32 v0, $0x1F;
	v4 =	vandn.u32 $0x7, v0  }
0x49: {  	v1 =	vsel vm0, v1, v2;
	v2 =	vand.u32 $0x7FFFFFFF, v3;
	[tilespmem:s15+$0x2800] =	vst v4  }
0x4a: {  	v0 =	vxor.u32 v0, v2;
	v2 =	vshra.s32 v1, $0x1F;
	v3 =	vandn.u32 $0x7, v1  }
0x4b: {  	v2 =	vand.u32 $0x7FFFFFFF, v2;
	[tilespmem:s15+$0x2880] =	vst v3  }
0x4c: {  	v1 =	vxor.u32 v1, v2  }
0x4d: {  	v0 =	vsub.f32 v1, v0;
	_ =	sdelay $0x1  }
0x4e: {  	v0 =	vmul.f32 $1.442695020e+00, v0;
	_ =	sdelay $0x1  }
0x4f: {  	(erf) = vpow2.f32 v0;
	_ =	sdelay $0x8  }
0x50: {  	v0 =	vpop (erf)  }
0x51: {  	v1 =	vadd.f32 $1.000000000e+00, v0;
	_ =	sdelay $0x1  }
0x52: {  	(erf) = vrcp.f32 v1;
	_ =	sdelay $0x5  }
.Ltmp0:
0x53: {  	(pc) =	sbr.rel @p0 .LBB2_2-.Ltmp0, $3  }
0x54: {  	_ =	sdelay $0x1  }
0x55: {  	v1 =	vpop (erf)  }
0x56: {  	s13 =	sadd.s32 $0x10, s13;
	s18 =	smov.u32 s14;
	s17 =	sshll.u32 s12, $0x7;
	[tilespmem:s15+$0x2000] =	vst v1;
	v0 =	vmul.f32 v1, v0  }
0x57: {  	s13 =	sand.u32 $0x3FFFFC00, s17  }
0x58: {  	s13 =	sor.u32 s11, s13;
	[tilespmem:s15+$0x2080] =	vst v0  }
0x59: {  	v0 =	vld [tilespmem:s13+$0x0]  }
0x5a: {  	v1 =	vld [tilespmem:s13+$0x80];
	_ =	sdelay $0x1  }
0x5b: {  	v2 =	vld [tilespmem:s13+$0x100];
	_ =	sdelay $0x1  }
0x5c: {  	v3 =	vld [tilespmem:s13+$0x180]  }
0x5d: {  	vm0 =	vgt.s32 v0, v1  }
0x5e: {  	v4 =	vld [tilespmem:s13+$0x200];
	v5 =	vsel vm0, v0, v1  }
0x5f: {  	vm1 =	vgt.s32 v5, v2  }
0x60: {  	v53 =	vld [tilespmem:s13+$0x280];
	v0 =	vsel vm0, v1, v0;
	v6 =	vsel vm1, v2, v5;
	v2 =	vsel vm1, v5, v2  }
0x61: {  	vm0 =	vgt.s32 v0, v6;
	vm1 =	vgt.s32 v2, v3  }
0x62: {  	v54 =	vld [tilespmem:s13+$0x300];
	v0 =	vsel vm0, v0, v6;
	v55 =	vsel vm1, v3, v2;
	v2 =	vsel vm1, v2, v3  }
0x63: {  	vm0 =	vgt.s32 v0, v55;
	vm1 =	vgt.s32 v2, v4  }
0x64: {  	v56 =	vld [tilespmem:s13+$0x380];
	v0 =	vsel vm0, v0, v55;
	v57 =	vsel vm1, v4, v2;
	v2 =	vsel vm1, v2, v4  }
0x65: {  	vm0 =	vgt.s32 v0, v57;
	vm1 =	vgt.s32 v2, v53  }
0x66: {  	v0 =	vsel vm0, v0, v57;
	v4 =	vsel vm1, v53, v2;
	v1 =	vsel vm1, v2, v53  }
0x67: {  	vm0 =	vgt.s32 v0, v4;
	vm1 =	vgt.s32 v1, v54  }
0x68: {  	v0 =	vsel vm0, v0, v4;
	v2 =	vsel vm1, v54, v1;
	v1 =	vsel vm1, v1, v54  }
0x69: {  	vm0 =	vgt.s32 v0, v2;
	vm1 =	vgt.s32 v1, v56  }
0x6a: {  	v0 =	vsel vm0, v0, v2;
	v58 =	vsel vm1, v56, v1  }
0x6b: {  	vm0 =	vgt.s32 v0, v58  }
0x6c: {  	v1 =	vsel vm1, v1, v56;
	v0 =	vsel vm0, v0, v58  }
0x6d: {  	v59 =	vshra.s32 v1, $0x1F;
	v60 =	vshra.s32 v0, $0x1F  }
0x6e: {  	v2 =	vand.u32 $0x7FFFFFFF, v59;
	v3 =	vand.u32 $0x7FFFFFFF, v60  }
0x6f: {  	v2 =	vxor.u32 v1, v2;
	v3 =	vxor.u32 v0, v3  }
0x70: {  	v2 =	vsub.f32 v3, v2;
	_ =	sdelay $0x1  }
0x71: {  	v2 =	vmul.f32 $1.442695020e+00, v2;
	_ =	sdelay $0x1  }
0x72: {  	(erf) = vpow2.f32 v2;
	_ =	sdelay $0x8  }
0x73: {  	v2 =	vpop (erf)  }
0x74: {  	v61 =	vadd.f32 $1.000000000e+00, v2;
	_ =	sdelay $0x1  }
0x75: {  	(erf) = vrcp.f32 v61;
	_ =	sdelay $0x5  }
0x76: {  	s12 =	sshll.u32 s12, $0x5  }
0x77: {  	s12 =	sand.u32 $0xFFFFFF00, s12  }
0x78: {  	s31 =	sor.u32 s11, s12;
	v1 =	vandn.u32 $0x7, v1  }
0x79: {  	[tilespmem:s31+$0x2800] =	vst v1;
	v0 =	vandn.u32 $0x7, v0;
	v62 =	vpop (erf)  }
0x7a: {  	[tilespmem:s31+$0x2880] =	vst v0;
	v63 =	vmul.f32 v62, v2  }
0x7b: {  	[tilespmem:s31+$0x2000] =	vst v62  }
0x7c: {  	[tilespmem:s31+$0x2080] =	vst v63  }
0x7d: {  	[hbm4b:s4+s2] =	stream.linear.scatter [tilespmem:s8], [sflag:$0x1], $0x800, $0x38;
	[tilespmem:$0x3000] =	vst v63  }
0x7e: {  	s10 =	sadd.s32 $0x1, s10;
	_ =	swait.ge [sflag:s7], $0x800  }
0x7f: {  	p0 =	sne.s32 s10, s6;
	[sflag:s7] =	ssyncset.done $0x0  }
.Ltmp1:
0x80: {  	[sflag:s7] =	ssyncadd.s32 $0xFFFFF800;
	(pc) =	sbr.rel @p0 .LBB2_1-.Ltmp1, $4  }
0x81: {  	[hbm4b:s5+s2] =	stream.linear.scatter [tilespmem:s9], [sflag:$0x1], $0x800, $0x38;
	[tilespmem:$0x3000] =	vst v63  }
0x82: {  	_ =	swait.ge [sflag:s7], $0x800  }
0x83: {  	[sflag:s7] =	ssyncset.done $0x0  }
0x84: {  	[sflag:s7] =	ssyncadd.s32 $0xFFFFF800  }
0x85: {  	_ =	sfence.sel $0x180000  }
0x86: {  	[bflag:$0x0] =	sbarrier.arrive $0xFFFF  }
0x87: {  	p0 =	sne.s32 s1, $0x0;
	_ =	strace $0x90000047  }
0x88: {  	s0 =	sadd.s32 @!p0 $0x100000, s0;
	[bflag:$0x2] =	sbarrier.arrive $0xFFFF  }
0x89: {  	[sflag:s0] =	ssyncadd.tile.s32 @!p0 $0x1;
	_ =	shalt  }
.Lfunc_end2:
_tile_overlayer_lowered:
.L_overlay_start_2:
0x8a: {  	(tag) =	ssettag $0x2  }
0x8b: {  	s0 =	rddreg [dreg:$0x0];
	s2 =	stileid.u32  }
0x8c: {  	s1 =	rddreg [dreg:$0x1];
	p0 =	sne.s32 s2, $0x0  }
0x8d: {  	s3 =	rddreg [dreg:$0x2];
	[bflag:$0x3] =	sbarrier.arrive $0xFFFF;
	s2 =	simm.s32 @!p0 $0x1C01  }
0x8e: {  	[timem:s3], [sflag:s2] =	dma.local @!p0 [hbm:s0], s1  }
0x8f: {  	s0 =	simm.s32 @!p0 $0x1  }
0x90: {  	_ =	swait.ge @!p0 [sflag:s0], s1  }
0x91: {  	s1 =	ssub.s32 @!p0 $0x0, s1;
	[sflag:s0] =	ssyncset.done @!p0 $0x0  }
0x92: {  	[sflag:s0] =	ssyncadd.s32 @!p0 s1  }
0x93: {  	[bflag:$0x3] =	sbarrier.arrive $0xFFFF  }
0x94: {  	_ =	shalt  }

</sc_bundles>
